<compile_context>
chip_gen: v7x
topology: tpu7x:2x2x1
jax: 0.10.2.dev20260603
libtpu: 0.0.44.dev20260713+nightly
codegen_flags: <defaults>
</compile_context>

<pallas_src>
import functools

import jax
import jax.numpy as jnp
from jax import lax
from jax.experimental import pallas as pl
from jax.experimental.pallas import tpu as pltpu
from jax.experimental.pallas import tpu_sc as plsc

_E = 8
_T = 2048


def _top2(logits):
    eidx = jax.lax.broadcasted_iota(jnp.int32, logits.shape, 0)
    m1 = jnp.max(logits, axis=0, keepdims=True)
    i1 = jnp.min(jnp.where(logits == m1, eidx, _E), axis=0, keepdims=True)
    masked = jnp.where(eidx == i1, -jnp.inf, logits)
    m2 = jnp.max(masked, axis=0, keepdims=True)
    i2 = jnp.min(jnp.where(masked == m2, eidx, _E), axis=0, keepdims=True)
    w1 = 1.0 / (1.0 + jnp.exp(m2 - m1))
    return (jnp.concatenate([i1, i2], axis=0),
            jnp.concatenate([w1, 1.0 - w1], axis=0))


def _router_body(x0_ref, x1_ref, w_ref, idx_ref, wgt_ref):
    w = w_ref[...]
    dn = (((1,), (1,)), ((), ()))
    lg0 = jax.lax.dot_general(w, x0_ref[...], dn, preferred_element_type=jnp.float32)
    i0, g0 = _top2(lg0)
    idx_ref[:, 0:_T] = i0
    wgt_ref[:, 0:_T] = g0
    lg1 = jax.lax.dot_general(w, x1_ref[...], dn, preferred_element_type=jnp.float32)
    i1, g1 = _top2(lg1)
    idx_ref[:, _T:2 * _T] = i1
    wgt_ref[:, _T:2 * _T] = g1


def _noop_body(hs_hbm, out_hbm, buf):
    wid = lax.axis_index("s") * 2 + lax.axis_index("c")
    pltpu.sync_copy(hs_hbm.at[0, pl.ds(0, 16)], buf)
    pltpu.sync_copy(buf, out_hbm.at[pl.ds(wid * 16, 16)])


def kernel(hidden_states, weights):
    b, s, d = hidden_states.shape
    n = b * s
    hs = hidden_states.reshape(n, d)
    noop = functools.partial(
        pl.kernel,
        out_type=[jax.ShapeDtypeStruct((32 * 16,), jnp.float32)],
        mesh=plsc.VectorSubcoreMesh(core_axis_name="c", subcore_axis_name="s"),
        scratch_types=[pltpu.VMEM((16,), jnp.float32)],
    )(_noop_body)
    (dummy,) = noop(hs)
    nblk = n // _T
    idx_t, wgt_t = pl.pallas_call(
        _router_body,
        grid=(nblk // 2,),
        in_specs=[
            pl.BlockSpec((_T, d), lambda i: (2 * i, 0)),
            pl.BlockSpec((_T, d), lambda i: (2 * i + 1, 0)),
            pl.BlockSpec((_E, d), lambda i: (0, 0)),
        ],
        out_specs=[
            pl.BlockSpec((2, 2 * _T), lambda i: (0, i)),
            pl.BlockSpec((2, 2 * _T), lambda i: (0, i)),
        ],
        out_shape=[
            jax.ShapeDtypeStruct((2, n), jnp.int32),
            jax.ShapeDtypeStruct((2, n), jnp.float32),
        ],
    )(hs, hs, weights)
    aux = jnp.minimum(jnp.abs(dummy[0]) * 1e-30, 0.0)
    return idx_t.T, wgt_t.T, aux

# --- scband reference (transcript-rebuilt; emitter-appended) ---
"""Pipeline reference for scband-moegate-88338887344193 (READ-ONLY COPY).

The authoritative reference and input builder live on the scoring server;
editing this copy changes nothing except your own understanding.
"""

import jax, jax.numpy as jnp
import numpy as np

B, S, D = 4, 8192, 768
E = 8
TOP_K = 2


def setup_inputs(seed: int = 0) -> dict:
    key = jax.random.key(seed)
    k1, k2 = jax.random.split(key)
    hidden_states = jax.random.normal(k1, (B, S, D), dtype=jnp.float32)
    # kaiming_uniform_(a=sqrt(5)) => gain = sqrt(2/(1+5)) = sqrt(1/3);
    # bound = gain * sqrt(3 / fan_in) = 1 / sqrt(fan_in)
    bound = 1.0 / np.sqrt(D)
    weights = jax.random.uniform(k2, (E, D), dtype=jnp.float32, minval=-bound, maxval=bound)
    return {"hidden_states": hidden_states, "weights": weights}


def reference(hidden_states, weights):
    b, s, d = hidden_states.shape
    hs = hidden_states.reshape(-1, d)
    # F.linear(x, W) == x @ W.T
    logits = hs @ weights.T
    scores = jax.nn.softmax(logits, axis=-1)
    top_k_weights, top_k_idx = jax.lax.top_k(scores, TOP_K)
    # top_k > 1 and norm_topk_experts -> normalize
    denominator = jnp.sum(top_k_weights, axis=-1, keepdims=True) + 1e-20
    top_k_weights = top_k_weights / denominator
    # alpha == 0.0 -> aux_loss = 0
    aux_loss = jnp.float32(0.0)
    return (top_k_idx, top_k_weights, aux_loss)

if __name__ == "__main__":
    import jax
    _d = setup_inputs()
    print(jax.jit(kernel)(*tuple(_d.values())))

</pallas_src>

<mosaic_0001>
#map = affine_map<(d0, d1) -> (0, 0)>
#map1 = affine_map<(d0, d1) -> (0)>
module attributes {stable_mosaic.version = 14 : i64} {
  func.func @_noop_body(%arg0: i32, %arg1: i32, %arg2: memref<32768x768xf32, #tpu.memory_space<hbm>>, %arg3: memref<512xf32, #tpu.memory_space<hbm>>, %arg4: memref<16xf32, #tpu.memory_space<vmem>>) attributes {dimension_semantics = [#tpu.dimension_semantics<core_parallel>, #tpu.dimension_semantics<subcore_parallel>], iteration_bounds = array<i64: 2, 16>, scalar_prefetch = 0 : i64, scratch_operands = 1 : i64, tpu.core_type = #tpu.core_type<sc_vector_subcore>, window_params = [{transform_indices = #map}, {transform_indices = #map1}]} {
    %mul3A = arith.constant 2 : i32
    %mul3A_0 = arith.muli %arg1, %mul3A : i32
    %add3A = arith.addi %mul3A_0, %arg0 : i32
    %run_scoped3A = arith.constant 0 : i32
    "tpu.region"() ({
      %run_scoped3A_3 = tpu.sem_alloc : memref<!tpu.dma_semaphore, #tpu.memory_space<semaphore_mem>>
      %dma_start3A = arith.constant 0 : i32
      %dma_start3A_4 = tpu.memref_slice %arg2[%run_scoped3A, %dma_start3A] : memref<32768x768xf32, #tpu.memory_space<hbm>> -> memref<1x16xf32, #tpu.memory_space<hbm>>
      %dma_start3A_5 = tpu.memref_squeeze %dma_start3A_4 : memref<1x16xf32, #tpu.memory_space<hbm>> -> memref<16xf32, #tpu.memory_space<hbm>>
      %dma_start3A_6 = arith.constant 0 : i32
      %dma_start3A_7 = tpu.memref_slice %arg2[%run_scoped3A, %dma_start3A_6] : memref<32768x768xf32, #tpu.memory_space<hbm>> -> memref<1x16xf32, #tpu.memory_space<hbm>>
      %dma_start3A_8 = tpu.memref_squeeze %dma_start3A_7 : memref<1x16xf32, #tpu.memory_space<hbm>> -> memref<16xf32, #tpu.memory_space<hbm>>
      tpu.enqueue_dma source(%dma_start3A_8 : memref<16xf32, #tpu.memory_space<hbm>>) target(%arg4 : memref<16xf32, #tpu.memory_space<vmem>>) target_semaphore(%run_scoped3A_3 : memref<!tpu.dma_semaphore, #tpu.memory_space<semaphore_mem>>)
      %dma_wait3A = arith.constant 0 : i32
      %dma_wait3A_9 = tpu.memref_slice %arg2[%run_scoped3A, %dma_wait3A] : memref<32768x768xf32, #tpu.memory_space<hbm>> -> memref<1x16xf32, #tpu.memory_space<hbm>>
      %dma_wait3A_10 = tpu.memref_squeeze %dma_wait3A_9 : memref<1x16xf32, #tpu.memory_space<hbm>> -> memref<16xf32, #tpu.memory_space<hbm>>
      %dma_wait3A_11 = arith.constant 0 : i32
      %dma_wait3A_12 = tpu.memref_slice %arg2[%run_scoped3A, %dma_wait3A_11] : memref<32768x768xf32, #tpu.memory_space<hbm>> -> memref<1x16xf32, #tpu.memory_space<hbm>>
      %dma_wait3A_13 = tpu.memref_squeeze %dma_wait3A_12 : memref<1x16xf32, #tpu.memory_space<hbm>> -> memref<16xf32, #tpu.memory_space<hbm>>
      tpu.wait_dma2 semaphore(%run_scoped3A_3 : memref<!tpu.dma_semaphore, #tpu.memory_space<semaphore_mem>>) src(%dma_wait3A_13 : memref<16xf32, #tpu.memory_space<hbm>>) dst(%arg4 : memref<16xf32, #tpu.memory_space<vmem>>)
      tpu.yield
    }) : () -> ()
    %mul3A_1 = arith.constant 16 : i32
    %mul3A_2 = arith.muli %add3A, %mul3A_1 : i32
    "tpu.region"() ({
      %run_scoped3A_3 = tpu.sem_alloc : memref<!tpu.dma_semaphore, #tpu.memory_space<semaphore_mem>>
      %dma_start3A = tpu.memref_slice %arg3[%mul3A_2] : memref<512xf32, #tpu.memory_space<hbm>> -> memref<16xf32, #tpu.memory_space<hbm>>
      %dma_start3A_4 = tpu.memref_slice %arg3[%mul3A_2] : memref<512xf32, #tpu.memory_space<hbm>> -> memref<16xf32, #tpu.memory_space<hbm>>
      tpu.enqueue_dma source(%arg4 : memref<16xf32, #tpu.memory_space<vmem>>) target(%dma_start3A_4 : memref<16xf32, #tpu.memory_space<hbm>>) target_semaphore(%run_scoped3A_3 : memref<!tpu.dma_semaphore, #tpu.memory_space<semaphore_mem>>)
      %dma_wait3A = tpu.memref_slice %arg3[%mul3A_2] : memref<512xf32, #tpu.memory_space<hbm>> -> memref<16xf32, #tpu.memory_space<hbm>>
      %dma_wait3A_5 = tpu.memref_slice %arg3[%mul3A_2] : memref<512xf32, #tpu.memory_space<hbm>> -> memref<16xf32, #tpu.memory_space<hbm>>
      tpu.wait_dma2 semaphore(%run_scoped3A_3 : memref<!tpu.dma_semaphore, #tpu.memory_space<semaphore_mem>>) src(%arg4 : memref<16xf32, #tpu.memory_space<vmem>>) dst(%dma_wait3A_5 : memref<16xf32, #tpu.memory_space<hbm>>)
      tpu.yield
    }) : () -> ()
    return
  }
}

module attributes {stable_mosaic.version = 14 : i64} {
  func.func @_router_body(%arg0: i32, %arg1: memref<2048x768xf32, #tpu.memory_space<vmem>>, %arg2: memref<2048x768xf32, #tpu.memory_space<vmem>>, %arg3: memref<8x768xf32, #tpu.memory_space<vmem>>, %arg4: memref<2x4096xi32, #tpu.memory_space<vmem>>, %arg5: memref<2x4096xf32, #tpu.memory_space<vmem>>) attributes {dimension_semantics = [#tpu.dimension_semantics<arbitrary>], iteration_bounds = array<i64: 8>, scalar_prefetch = 0 : i64, scratch_operands = 0 : i64, tpu.core_type = #tpu.core_type<tc>, window_params = [{transform_indices = @transform_0, window_bounds = array<i64: 2048, 768>}, {transform_indices = @transform_1, window_bounds = array<i64: 2048, 768>}, {pipeline_mode = #tpu.pipeline_mode<synchronous>, transform_indices = @transform_2, window_bounds = array<i64: 8, 768>}, {transform_indices = @transform_3, window_bounds = array<i64: 2, 4096>}, {transform_indices = @transform_4, window_bounds = array<i64: 2, 4096>}]} {
    %get3A = arith.constant 0 : index
    %get3A_0 = arith.constant 0 : index
    %get3A_1 = vector.load %arg3[%get3A, %get3A_0] : memref<8x768xf32, #tpu.memory_space<vmem>>, vector<8x768xf32>
    %get3A_2 = arith.constant 0 : index
    %get3A_3 = arith.constant 0 : index
    %get3A_4 = vector.load %arg1[%get3A_2, %get3A_3] : memref<2048x768xf32, #tpu.memory_space<vmem>>, vector<2048x768xf32>
    %dot_general3A = arith.constant dense<0.000000e+00> : vector<8x2048xf32>
    %dot_general3A_5 = tpu.matmul %get3A_1, %get3A_4, %dot_general3A {dimension_numbers = #tpu.dot_dimension_numbers<[1], [1], [0], [0], [0, 0, 1, 0], [], []>, transpose_lhs_hint = false} : vector<8x768xf32>, vector<2048x768xf32>, vector<8x2048xf32> -> vector<8x2048xf32>
    %iota3A = tpu.iota {dimensions = array<i32: 0>} : vector<8x2048xi32>
    %reduce_max3A = arith.constant dense<0xFF800000> : vector<2048xf32>
    %reduce_max3A_6 = vector.multi_reduction <maximumf>, %dot_general3A_5, %reduce_max3A [0] : vector<8x2048xf32> to vector<2048xf32>
    %broadcast_in_dim3A = vector.shape_cast %reduce_max3A_6 : vector<2048xf32> to vector<1x2048xf32>
    %eq3A = vector.broadcast %broadcast_in_dim3A : vector<1x2048xf32> to vector<8x2048xf32>
    %eq3A_7 = arith.cmpf oeq, %dot_general3A_5, %eq3A : vector<8x2048xf32>
    %jit3A = arith.constant 8 : i32
    %broadcast_in_dim3A_8 = vector.broadcast %jit3A : i32 to vector<8x2048xi32>
    %select_n3A = arith.select %eq3A_7, %iota3A, %broadcast_in_dim3A_8 : vector<8x2048xi1>, vector<8x2048xi32>
    %reduce_min3A = arith.constant dense<2147483647> : vector<2048xi32>
    %reduce_min3A_9 = vector.multi_reduction <minsi>, %select_n3A, %reduce_min3A [0] : vector<8x2048xi32> to vector<2048xi32>
    %broadcast_in_dim3A_10 = vector.shape_cast %reduce_min3A_9 : vector<2048xi32> to vector<1x2048xi32>
    %eq3A_11 = vector.broadcast %broadcast_in_dim3A_10 : vector<1x2048xi32> to vector<8x2048xi32>
    %eq3A_12 = arith.cmpi eq, %iota3A, %eq3A_11 : vector<8x2048xi32>
    %jit3A_13 = arith.constant 0xFF800000 : f32
    %broadcast_in_dim3A_14 = vector.broadcast %jit3A_13 : f32 to vector<8x2048xf32>
    %select_n3A_15 = arith.select %eq3A_12, %broadcast_in_dim3A_14, %dot_general3A_5 : vector<8x2048xi1>, vector<8x2048xf32>
    %reduce_max3A_16 = arith.constant dense<0xFF800000> : vector<2048xf32>
    %reduce_max3A_17 = vector.multi_reduction <maximumf>, %select_n3A_15, %reduce_max3A_16 [0] : vector<8x2048xf32> to vector<2048xf32>
    %broadcast_in_dim3A_18 = vector.shape_cast %reduce_max3A_17 : vector<2048xf32> to vector<1x2048xf32>
    %eq3A_19 = vector.broadcast %broadcast_in_dim3A_18 : vector<1x2048xf32> to vector<8x2048xf32>
    %eq3A_20 = arith.cmpf oeq, %select_n3A_15, %eq3A_19 : vector<8x2048xf32>
    %jit3A_21 = arith.constant 8 : i32
    %broadcast_in_dim3A_22 = vector.broadcast %jit3A_21 : i32 to vector<8x2048xi32>
    %select_n3A_23 = arith.select %eq3A_20, %iota3A, %broadcast_in_dim3A_22 : vector<8x2048xi1>, vector<8x2048xi32>
    %reduce_min3A_24 = arith.constant dense<2147483647> : vector<2048xi32>
    %reduce_min3A_25 = vector.multi_reduction <minsi>, %select_n3A_23, %reduce_min3A_24 [0] : vector<8x2048xi32> to vector<2048xi32>
    %broadcast_in_dim3A_26 = vector.shape_cast %reduce_min3A_25 : vector<2048xi32> to vector<1x2048xi32>
    %sub3A = arith.subf %broadcast_in_dim3A_18, %broadcast_in_dim3A : vector<1x2048xf32>
    %exp3A = math.exp %sub3A : vector<1x2048xf32>
    %add3A = arith.constant 1.000000e+00 : f32
    %add3A_27 = vector.broadcast %add3A : f32 to vector<1x2048xf32>
    %add3A_28 = arith.addf %add3A_27, %exp3A : vector<1x2048xf32>
    %div3A = arith.constant 1.000000e+00 : f32
    %div3A_29 = vector.broadcast %div3A : f32 to vector<1x2048xf32>
    %div3A_30 = arith.divf %div3A_29, %add3A_28 : vector<1x2048xf32>
    %concatenate3A = tpu.concatenate %broadcast_in_dim3A_10, %broadcast_in_dim3A_26 in 0 : vector<1x2048xi32>, vector<1x2048xi32> -> vector<2x2048xi32>
    %sub3A_31 = arith.constant 1.000000e+00 : f32
    %sub3A_32 = vector.broadcast %sub3A_31 : f32 to vector<1x2048xf32>
    %sub3A_33 = arith.subf %sub3A_32, %div3A_30 : vector<1x2048xf32>
    %concatenate3A_34 = tpu.concatenate %div3A_30, %sub3A_33 in 0 : vector<1x2048xf32>, vector<1x2048xf32> -> vector<2x2048xf32>
    %swap3A = arith.constant 0 : index
    %swap3A_35 = arith.constant 0 : index
    %swap3A_36 = vector.load %arg4[%swap3A, %swap3A_35] : memref<2x4096xi32, #tpu.memory_space<vmem>>, vector<2x2048xi32>
    tpu.vector_store %arg4[%swap3A, %swap3A_35], %concatenate3A {strides = array<i32>} : memref<2x4096xi32, #tpu.memory_space<vmem>>, vector<2x2048xi32>,
    %swap3A_37 = arith.constant 0 : index
    %swap3A_38 = arith.constant 0 : index
    %swap3A_39 = vector.load %arg5[%swap3A_37, %swap3A_38] : memref<2x4096xf32, #tpu.memory_space<vmem>>, vector<2x2048xf32>
    tpu.vector_store %arg5[%swap3A_37, %swap3A_38], %concatenate3A_34 {strides = array<i32>} : memref<2x4096xf32, #tpu.memory_space<vmem>>, vector<2x2048xf32>,
    %get3A_40 = arith.constant 0 : index
    %get3A_41 = arith.constant 0 : index
    %get3A_42 = vector.load %arg2[%get3A_40, %get3A_41] : memref<2048x768xf32, #tpu.memory_space<vmem>>, vector<2048x768xf32>
    %dot_general3A_43 = arith.constant dense<0.000000e+00> : vector<8x2048xf32>
    %dot_general3A_44 = tpu.matmul %get3A_1, %get3A_42, %dot_general3A_43 {dimension_numbers = #tpu.dot_dimension_numbers<[1], [1], [0], [0], [0, 0, 1, 0], [], []>, transpose_lhs_hint = false} : vector<8x768xf32>, vector<2048x768xf32>, vector<8x2048xf32> -> vector<8x2048xf32>
    %iota3A_45 = tpu.iota {dimensions = array<i32: 0>} : vector<8x2048xi32>
    %reduce_max3A_46 = arith.constant dense<0xFF800000> : vector<2048xf32>
    %reduce_max3A_47 = vector.multi_reduction <maximumf>, %dot_general3A_44, %reduce_max3A_46 [0] : vector<8x2048xf32> to vector<2048xf32>
    %broadcast_in_dim3A_48 = vector.shape_cast %reduce_max3A_47 : vector<2048xf32> to vector<1x2048xf32>
    %eq3A_49 = vector.broadcast %broadcast_in_dim3A_48 : vector<1x2048xf32> to vector<8x2048xf32>
    %eq3A_50 = arith.cmpf oeq, %dot_general3A_44, %eq3A_49 : vector<8x2048xf32>
    %jit3A_51 = arith.constant 8 : i32
    %broadcast_in_dim3A_52 = vector.broadcast %jit3A_51 : i32 to vector<8x2048xi32>
    %select_n3A_53 = arith.select %eq3A_50, %iota3A_45, %broadcast_in_dim3A_52 : vector<8x2048xi1>, vector<8x2048xi32>
    %reduce_min3A_54 = arith.constant dense<2147483647> : vector<2048xi32>
    %reduce_min3A_55 = vector.multi_reduction <minsi>, %select_n3A_53, %reduce_min3A_54 [0] : vector<8x2048xi32> to vector<2048xi32>
    %broadcast_in_dim3A_56 = vector.shape_cast %reduce_min3A_55 : vector<2048xi32> to vector<1x2048xi32>
    %eq3A_57 = vector.broadcast %broadcast_in_dim3A_56 : vector<1x2048xi32> to vector<8x2048xi32>
    %eq3A_58 = arith.cmpi eq, %iota3A_45, %eq3A_57 : vector<8x2048xi32>
    %jit3A_59 = arith.constant 0xFF800000 : f32
    %broadcast_in_dim3A_60 = vector.broadcast %jit3A_59 : f32 to vector<8x2048xf32>
    %select_n3A_61 = arith.select %eq3A_58, %broadcast_in_dim3A_60, %dot_general3A_44 : vector<8x2048xi1>, vector<8x2048xf32>
    %reduce_max3A_62 = arith.constant dense<0xFF800000> : vector<2048xf32>
    %reduce_max3A_63 = vector.multi_reduction <maximumf>, %select_n3A_61, %reduce_max3A_62 [0] : vector<8x2048xf32> to vector<2048xf32>
    %broadcast_in_dim3A_64 = vector.shape_cast %reduce_max3A_63 : vector<2048xf32> to vector<1x2048xf32>
    %eq3A_65 = vector.broadcast %broadcast_in_dim3A_64 : vector<1x2048xf32> to vector<8x2048xf32>
    %eq3A_66 = arith.cmpf oeq, %select_n3A_61, %eq3A_65 : vector<8x2048xf32>
    %jit3A_67 = arith.constant 8 : i32
    %broadcast_in_dim3A_68 = vector.broadcast %jit3A_67 : i32 to vector<8x2048xi32>
    %select_n3A_69 = arith.select %eq3A_66, %iota3A_45, %broadcast_in_dim3A_68 : vector<8x2048xi1>, vector<8x2048xi32>
    %reduce_min3A_70 = arith.constant dense<2147483647> : vector<2048xi32>
    %reduce_min3A_71 = vector.multi_reduction <minsi>, %select_n3A_69, %reduce_min3A_70 [0] : vector<8x2048xi32> to vector<2048xi32>
    %broadcast_in_dim3A_72 = vector.shape_cast %reduce_min3A_71 : vector<2048xi32> to vector<1x2048xi32>
    %sub3A_73 = arith.subf %broadcast_in_dim3A_64, %broadcast_in_dim3A_48 : vector<1x2048xf32>
    %exp3A_74 = math.exp %sub3A_73 : vector<1x2048xf32>
    %add3A_75 = arith.constant 1.000000e+00 : f32
    %add3A_76 = vector.broadcast %add3A_75 : f32 to vector<1x2048xf32>
    %add3A_77 = arith.addf %add3A_76, %exp3A_74 : vector<1x2048xf32>
    %div3A_78 = arith.constant 1.000000e+00 : f32
    %div3A_79 = vector.broadcast %div3A_78 : f32 to vector<1x2048xf32>
    %div3A_80 = arith.divf %div3A_79, %add3A_77 : vector<1x2048xf32>
    %concatenate3A_81 = tpu.concatenate %broadcast_in_dim3A_56, %broadcast_in_dim3A_72 in 0 : vector<1x2048xi32>, vector<1x2048xi32> -> vector<2x2048xi32>
    %sub3A_82 = arith.constant 1.000000e+00 : f32
    %sub3A_83 = vector.broadcast %sub3A_82 : f32 to vector<1x2048xf32>
    %sub3A_84 = arith.subf %sub3A_83, %div3A_80 : vector<1x2048xf32>
    %concatenate3A_85 = tpu.concatenate %div3A_80, %sub3A_84 in 0 : vector<1x2048xf32>, vector<1x2048xf32> -> vector<2x2048xf32>
    %swap3A_86 = arith.constant 0 : index
    %swap3A_87 = arith.constant 2048 : index
    %swap3A_88 = vector.load %arg4[%swap3A_86, %swap3A_87] : memref<2x4096xi32, #tpu.memory_space<vmem>>, vector<2x2048xi32>
    tpu.vector_store %arg4[%swap3A_86, %swap3A_87], %concatenate3A_81 {strides = array<i32>} : memref<2x4096xi32, #tpu.memory_space<vmem>>, vector<2x2048xi32>,
    %swap3A_89 = arith.constant 0 : index
    %swap3A_90 = arith.constant 2048 : index
    %swap3A_91 = vector.load %arg5[%swap3A_89, %swap3A_90] : memref<2x4096xf32, #tpu.memory_space<vmem>>, vector<2x2048xf32>
    tpu.vector_store %arg5[%swap3A_89, %swap3A_90], %concatenate3A_85 {strides = array<i32>} : memref<2x4096xf32, #tpu.memory_space<vmem>>, vector<2x2048xf32>,
    return
  }
  func.func @transform_0(%arg0: i32) -> (i32, i32) {
    %mul3A = arith.constant 2 : i32
    %mul3A_0 = arith.muli %mul3A, %arg0 : i32
    %c0_i32 = arith.constant 0 : i32
    %c0_i32_1 = arith.constant 0 : i32
    return %mul3A_0, %c0_i32 : i32, i32
  }
  func.func @transform_1(%arg0: i32) -> (i32, i32) {
    %mul3A = arith.constant 2 : i32
    %mul3A_0 = arith.muli %mul3A, %arg0 : i32
    %add3A = arith.constant 1 : i32
    %add3A_1 = arith.addi %mul3A_0, %add3A : i32
    %c0_i32 = arith.constant 0 : i32
    %c0_i32_2 = arith.constant 0 : i32
    return %add3A_1, %c0_i32 : i32, i32
  }
  func.func @transform_2(%arg0: i32) -> (i32, i32) {
    %c0_i32 = arith.constant 0 : i32
    %c0_i32_0 = arith.constant 0 : i32
    %c0_i32_1 = arith.constant 0 : i32
    return %c0_i32, %c0_i32_0 : i32, i32
  }
  func.func @transform_3(%arg0: i32) -> (i32, i32) {
    %c0_i32 = arith.constant 0 : i32
    %c0_i32_0 = arith.constant 0 : i32
    return %c0_i32, %arg0 : i32, i32
  }
  func.func @transform_4(%arg0: i32) -> (i32, i32) {
    %c0_i32 = arith.constant 0 : i32
    %c0_i32_0 = arith.constant 0 : i32
    return %c0_i32, %arg0 : i32, i32
  }
}

</mosaic_0001>

<sc_bundles>
// kernel: kernel.4.cloned.1.call-start
scs
__scs_entry_jumppad:
0x0: {  	(pc) =	sbr.rel $0x88, $3  }
0x1: {  	(tag) =	ssettag $0x0;
	lr =	simm.s32 $0x1  }
0x2: {  	[smem:$0x3F9F] =	sst lr;
	_ =	strace $0xD0000000  }
0x3: {  	_ = 	snop  }
0x4: {  	_ = 	snop  }
0x5: {  	_ = 	snop  }
0x6: {  	_ = 	snop  }
0x7: {  	_ = 	snop  }
__scs_overlays_trampoline_lowered:
0x8: {  	[smem:$0x3FAE] =	sst s0  }
0x9: {  	[smem:$0x3FAF] =	sst s1  }
0xa: {  	[smem:$0x3FB0] =	sst s2  }
0xb: {  	[smem:$0x3FB1] =	sst s3  }
0xc: {  	[smem:$0x3FB2] =	sst s4  }
0xd: {  	[smem:$0x3FB3] =	sst s5  }
0xe: {  	[smem:$0x3FB4] =	sst s6  }
0xf: {  	[smem:$0x3FB5] =	sst s7  }
0x10: {  	[smem:$0x3FB6] =	sst s8  }
0x11: {  	[smem:$0x3FB7] =	sst s9;
	s0 =	simm.s32 @!p0 $0x0  }
0x12: {  	s1 =	sld [smem:$0x3F9D];
	s0 =	simm.s32 @p0 $0x1  }
0x13: {  	[smem:$0x3FB8] =	sst s0;
	s0 =	simm.s32 @!p1 $0x0  }
0x14: {  	s2 =	sld [smem:$0x3F9C];
	s0 =	simm.s32 @p1 $0x1  }
0x15: {  	[smem:$0x3FB9] =	sst s0;
	s0 =	simm.s32 @!p2 $0x0  }
0x16: {  	s3 =	sld [smem:$0x3FDB];
	s0 =	simm.s32 @p2 $0x1  }
0x17: {  	s4 =	simm.s32 $0x1BF5;
	[smem:$0x3FBB] =	sst s0  }
0x18: {  	s0 =	sld [smem:$0x3F9E];
	_ =	swait.ge [sflag:s4], $0x0  }
0x19: {  	s7 =	sld [smem:$0x3F9F]  }
0x1a: {  	s8 =	sadd.s32 $0xFFFFE003, lr  }
0x1b: {  	s9 =	sadd.s32 $0xFFFFFEF7, lr;
	s5 =	simm.s32 $0xFFFFFFFF;
	p2 =	slt.u32 s8, $0xFFFFF086  }
0x1c: {  	p1 =	slt.u32 s9, $0xF7A;
	s5 =	simm.s32 @!p2 $0x0  }
0x1d: {  	s5 =	simm.s32 @p1 $0x1;
	p0 =	seq.s32 s7, s2  }
0x1e: {  	s7 =	smul.u32 @!p0 $0xF7A, s2;
	p2 =	seq.s32 @!p0 s5, $0x0  }
0x1f: {  	s9 =	smul.u32 $0xF7A, s1;
	s8 =	simm.s32 @!p0 $0x1BF5;
	p2 =	por !p2, p0  }
0x20: {  	[sflag:s8] =	ssyncset.s32 @!p0 $0xFFFFF086;
	s6 =	sadd.s32 @!p0 s3, s7;
	s7 =	simm.s32 @!p0 $0x108  }
0x21: {  	s3 =	sadd.s32 s3, s9;
	s6 =	sadd.s32 @!p0 $0x88, s6;
	s7 =	simm.s32 @p2 $0x1082  }
0x22: {  	[simem:s7], [sflag:s8] =	dma.local @!p0 [hbm:s6], $0xF7A  }
0x23: {  	s9 =	sor.u32 $0xD0000000, s2;
	s6 =	simm.s32 $0x108;
	_ =	swait.ge @!p0 [sflag:s8], $0x0  }
0x24: {  	s3 =	sadd.s32 $0x88, s3;
	s6 =	simm.s32 @!p1 $0x1082;
	[sflag:s4] =	ssyncset.s32 $0xFFFFF086  }
0x25: {  	[simem:s6], [sflag:s4] =	dma.local [hbm:s3], $0xF7A  }
0x26: {  	[smem:$0x3F9F] =	sst s1;
	(tag) =	ssettag s2;
	_ =	strace s9  }
0x27: {  	s1 =	sld [smem:$0x3FAF]  }
0x28: {  	s2 =	sld [smem:$0x3FB0]  }
0x29: {  	s4 =	sld [smem:$0x3FB2]  }
0x2a: {  	p0 =	seq.s32 s5, $0x0;
	s5 =	sld [smem:$0x3FB3]  }
0x2b: {  	s6 =	sld [smem:$0x3FB4]  }
0x2c: {  	s7 =	sld [smem:$0x3FB5]  }
0x2d: {  	s3 =	simm.s32 $0x108;
	s8 =	sld [smem:$0x3FB6]  }
0x2e: {  	s3 =	simm.s32 @!p0 $0x1082;
	s9 =	sld [smem:$0x3FB7]  }
0x2f: {  	lr =	sadd.s32 s0, s3;
	s0 =	sld [smem:$0x3FAE]  }
0x30: {  	s3 =	sld [smem:$0x3FB1]  }
0x31: {  	[smem:$0x3FBA] =	sst s10  }
0x32: {  	s10 =	sld [smem:$0x3FB8];
	_ =	sdelay $0x3  }
0x33: {  	p0 =	seq.s32 s10, $0x1;
	s10 =	sld [smem:$0x3FBA];
	_ =	sdelay $0x3  }
0x34: {  	[smem:$0x3FBA] =	sst s10  }
0x35: {  	s10 =	sld [smem:$0x3FB9];
	_ =	sdelay $0x3  }
0x36: {  	p1 =	seq.s32 s10, $0x1;
	s10 =	sld [smem:$0x3FBA];
	_ =	sdelay $0x3  }
0x37: {  	[smem:$0x3FBA] =	sst s10  }
0x38: {  	s10 =	sld [smem:$0x3FBB]  }
0x39: {  	_ = 	snop;
	(pc) =	sbr.ind lr, $3  }
0x3a: {  	_ = 	snop  }
0x3b: {  	_ = 	snop  }
0x3c: {  	p2 =	seq.s32 s10, $0x1;
	s10 =	sld [smem:$0x3FBA]  }
0x3d: {  	_ =	shalt  }
0x3e: {  	_ =	shalt  }
0x3f: {  	_ =	shalt  }
0x40: {  	_ =	shalt  }
0x41: {  	_ =	shalt  }
0x42: {  	_ =	shalt  }
0x43: {  	_ =	shalt  }
0x44: {  	_ =	shalt  }
0x45: {  	_ =	shalt  }
0x46: {  	_ =	shalt  }
0x47: {  	_ =	shalt  }
0x48: {  	_ =	shalt  }
0x49: {  	_ =	shalt  }
0x4a: {  	_ =	shalt  }
0x4b: {  	_ =	shalt  }
0x4c: {  	_ =	shalt  }
0x4d: {  	_ =	shalt  }
0x4e: {  	_ =	shalt  }
0x4f: {  	_ =	shalt  }
0x50: {  	_ =	shalt  }
0x51: {  	_ =	shalt  }
0x52: {  	_ =	shalt  }
0x53: {  	_ =	shalt  }
0x54: {  	_ =	shalt  }
0x55: {  	_ =	shalt  }
0x56: {  	_ =	shalt  }
0x57: {  	_ =	shalt  }
0x58: {  	_ =	shalt  }
0x59: {  	_ =	shalt  }
0x5a: {  	_ =	shalt  }
0x5b: {  	_ =	shalt  }
0x5c: {  	_ =	shalt  }
0x5d: {  	_ =	shalt  }
0x5e: {  	_ =	shalt  }
0x5f: {  	_ =	shalt  }
0x60: {  	_ =	shalt  }
0x61: {  	_ =	shalt  }
0x62: {  	_ =	shalt  }
0x63: {  	_ =	shalt  }
0x64: {  	_ =	shalt  }
0x65: {  	_ =	shalt  }
0x66: {  	_ =	shalt  }
0x67: {  	_ =	shalt  }
0x68: {  	_ =	shalt  }
0x69: {  	_ =	shalt  }
0x6a: {  	_ =	shalt  }
0x6b: {  	_ =	shalt  }
0x6c: {  	_ =	shalt  }
0x6d: {  	_ =	shalt  }
0x6e: {  	_ =	shalt  }
0x6f: {  	_ =	shalt  }
0x70: {  	_ =	shalt  }
0x71: {  	_ =	shalt  }
0x72: {  	_ =	shalt  }
0x73: {  	_ =	shalt  }
0x74: {  	_ =	shalt  }
0x75: {  	_ =	shalt  }
0x76: {  	_ =	shalt  }
0x77: {  	_ =	shalt  }
0x78: {  	_ =	shalt  }
0x79: {  	_ =	shalt  }
0x7a: {  	_ =	shalt  }
0x7b: {  	_ =	shalt  }
0x7c: {  	_ =	shalt  }
0x7d: {  	_ =	shalt  }
0x7e: {  	_ =	shalt  }
0x7f: {  	_ =	shalt  }
0x80: {  	_ =	shalt  }
0x81: {  	_ =	shalt  }
0x82: {  	_ =	shalt  }
0x83: {  	_ =	shalt  }
0x84: {  	_ =	shalt  }
0x85: {  	_ =	shalt  }
0x86: {  	_ =	shalt  }
0x87: {  	_ =	shalt  }
.Lfunc_end0:
.L_simem_size_0:
called_computation_lowered:
.L_overlay_start_0:
0x88: {  	s2 =	sld [smem:$0x3FD9]  }
0x89: {  	s3 =	sld [smem:$0x3FFE];
	_ =	sdelay $0x1  }
0x8a: {  	s1 =	srdreg.scid  }
0x8b: {  	s0 =	sand.u32 $0x1, s1  }
0x8c: {  	s17 =	sshll.u32 s0, $0xA;
	s2 =	sadd.s32 s3, s2  }
0x8d: {  	s2 =	sadd.s32 s2, s17  }
0x8e: {  	[smem:$0x3FC6] =	sst s2  }
0x8f: {  	_ = 	snop  }
0x90: {  	s2 =	sld [smem:$0x3FC9];
	(tm) =	ssettm $0x1  }
0x91: {  	s18 =	sld [smem:$0x3FFB];
	_ =	sdelay $0x3  }
0x92: {  	_ =	strace s18  }
0x93: {  	s3 =	sld [smem:$0x3FFC];
	_ =	sdelay $0x3  }
0x94: {  	_ =	strace s3  }
0x95: {  	s3 =	sld [smem:$0x3FFD];
	_ =	sdelay $0x3  }
0x96: {  	_ =	strace s3  }
0x97: {  	_ =	strace $0x8FFFFFFF  }
0x98: {  	s19 =	sld [smem:$0x3FDB];
	_ =	sdelay $0x1  }
0x99: {  	s4 =	simm.s32 $_scs_section_size  }
0x9a: {  	s5 =	simm.s32 $_size__tile_overlayer_lowered;
	s6 =	simm.s32 $_tile_overlayer_lowered  }
0x9b: {  	s22 =	simm.s32 $0x1BFF;
	s21 =	sshll.u32 s6, $0x1;
	s3 =	sadd.s32 s4, s19  }
0x9c: {  	s7 =	simm.s32 $0x0;
	s20 =	sshll.u32 s5, $0x1;
	s5 =	sadd.s32 s21, s3  }
0x9d: {  	[timem:s7], [sflag:s22] =	dma.local [hbm:s5], s20  }
0x9e: {  	_ =	swait.ge [sflag:s22], s20  }
0x9f: {  	s4 =	ssub.s32 $0x0, s20;
	[sflag:s22] =	ssyncset.done $0x0  }
0xa0: {  	[sflag:s22] =	ssyncadd.s32 s4;
	_ =	sdelay $0x1  }
0xa1: {  	s23 =	simm.s32 $0x1B8B  }
0xa2: {  	_ =	swait.ge [sflag:s23], $0x1  }
0xa3: {  	[sflag:s23] =	ssyncset.done $0x0  }
0xa4: {  	s25 =	simm.s32 $0x1B8E;
	s24 =	sld [smem:$0x3FFE];
	[sflag:s23] =	ssyncadd.s32 $0xFFFFFFFF  }
0xa5: {  	s26 =	simm.s32 $execute0_lowered;
	[smem:$0x3FD2] =	sst s25  }
0xa6: {  	s5 =	sshll.u32 s26, $0x1;
	_ =	strace $0x80000046;
	[dreg:$0x1] =	wrdreg $0xFFFFFFFF  }
0xa7: {  	s28 =	simm.s32 $_size_execute0_lowered;
	s3 =	sadd.s32 s3, s5;
	[dreg:$0x0] =	wrdreg $0x0  }
0xa8: {  	s5 =	sshll.u32 s28, $0x1;
	[dreg:$0x2] =	wrdreg s3  }
0xa9: {  	[dreg:$0x3] =	wrdreg s5  }
0xaa: {  	[dreg:$0x4] =	wrdreg $0xC0  }
0xab: {  	_ =	task [dreg:s7], $0x5FFFF  }
0xac: {  	[dreg:$0x1] =	wrdreg $0xFFFFFFFF  }
0xad: {  	[dreg:$0x0] =	wrdreg $0x60  }
0xae: {  	[dreg:$0x2] =	wrdreg s2  }
0xaf: {  	[dreg:$0x3] =	wrdreg s24  }
0xb0: {  	[dreg:$0x4] =	wrdreg $0x9  }
0xb1: {  	_ =	task.clear_ibuf [dreg:s7], $0x5FFFF;
	_ =	strace $0x90000046  }
0xb2: {  	s29 =	simm.s32 $0x9;
	_ =	strace $0x80000048  }
0xb3: {  	_ =	swait.ge [sflag:s29], $0x1  }
0xb4: {  	[sflag:s29] =	ssyncadd.s32 $0xFFFFFFFF  }
0xb5: {  	_ =	strace $0x90000048  }
0xb6: {  	_ =	sfence  }
0xb7: {  	s30 =	sld [smem:$0x0];
	_ =	sdelay $0x2  }
0xb8: {  	s31 =	sshll.u32 s1, $0xD;
	s1 =	sshrl.u32 s1, $0x2  }
0xb9: {  	s3 =	sand.u32 $0x4000, s31;
	s1 =	sadd.s32 s1, s30  }
0xba: {  	s0 =	sor.u32 s3, s0;
	s1 =	sshll.u32 s1, $0x11  }
0xbb: {  	s0 =	sor.u32 s1, s0  }
0xbc: {  	s0 =	sadd.s32 $0x8F2B, s0  }
0xbd: {  	[sflag:s0] =	ssyncadd.remote.s32 $0x1  }
0xbe: {  	_ =	sfence.sel $0xFFFF  }
0xbf: {  	[dreg:$0x0] =	wrdreg $0xFFFFFFFF;
	(pc) =	sbr.abs _section_cstart, $3  }
0xc0: {  	[dreg:$0x1] =	wrdreg $0xFFFFFFFF  }
0xc1: {  	_ =	task.clear_ibuf [dreg:s7], $0x2FFFF;
	_ =	strace $0x9FFFFFFF  }
0xc2: {  	(tm) =	ssettm $0x7FFFFFFF  }
0xc3: {  	_ =	shalt  }
tec
execute0_lowered:
.L_overlay_start_1:
0x0: {  	(tag) =	ssettag $0x1  }
0x1: {  	s1 =	rddreg [dreg:$0x0]  }
0x2: {  	s3 =	rddreg [dreg:$0x1];
	s4 =	srdreg.scid;
	s2 =	simm.s32 $0x0  }
0x3: {  	s4 =	sand.u32 $0x1, s4;
	[smem:$0x7FF] =	sst s2  }
0x4: {  	s0 =	rddreg [dreg:$0x2];
	_ =	strace $0x80000047;
	s6 =	ssub.s32 $0x2, s4  }
0x5: {  	[tilespmem:s2], [sflag:$0x1] =	stream.linear.gather [hbm4b:s1+s2], $0x10, $0x38;
	[tilespmem:$0x80] =	vst v63  }
0x6: {  	s7 =	sshrl.u32 s6, $0x1  }
0x7: {  	s5 =	sshll.u32 s4, $0x1;
	s4 =	simm.s32 $0x1;
	s6 =	ssub.s32 s6, s7  }
0x8: {  	s5 =	sadd.s32 s5, s3;
	s3 =	stileid.u32;
	s6 =	smax.u32 s6, $0x1  }
0x9: {  	s8 =	sshll.u32 s3, $0x2;
	_ =	swait.ge [sflag:s4], $0x10;
	p0 =	sne.s32 s6, $0x1  }
.Ltmp0:
0xa: {  	s5 =	sadd.s32 s8, s5;
	[sflag:s4] =	ssyncset.done $0x0;
	(pc) =	sbr.rel @!p0 .LBB2_2-.Ltmp0, $4  }
0xb: {  	s5 =	sadd.s32 $0x800, s5;
	[sflag:s4] =	ssyncadd.s32 $0xFFFFFFF0  }
0xc: {  	[hbm4b:s5+s2] =	stream.linear.scatter [tilespmem:s2], [sflag:$0x1], $0x10, $0x38;
	[tilespmem:$0x80] =	vst v63  }
0xd: {  	_ =	swait.ge [sflag:s4], $0x10  }
0xe: {  	s6 =	sadd.s32 $0xFFFFFFFF, s6;
	[sflag:s4] =	ssyncset.done $0x0  }
.LBB2_1:
0xf: {  	p0 =	sne.s32 s6, $0x1;
	s6 =	sadd.s32 $0xFFFFFFFF, s6;
	[sflag:s4] =	ssyncadd.s32 $0xFFFFFFF0  }
0x10: {  	[tilespmem:s2], [sflag:$0x1] =	stream.linear.gather [hbm4b:s1+s2], $0x10, $0x38;
	[tilespmem:$0x80] =	vst v63  }
0x11: {  	_ =	swait.ge [sflag:s4], $0x10  }
.Ltmp1:
0x12: {  	[sflag:s4] =	ssyncset.done $0x0;
	(pc) =	sbr.rel @p0 .LBB2_1-.Ltmp1, $4  }
0x13: {  	[sflag:s4] =	ssyncadd.s32 $0xFFFFFFF0  }
0x14: {  	[hbm4b:s5+s2] =	stream.linear.scatter [tilespmem:s2], [sflag:$0x1], $0x10, $0x38;
	[tilespmem:$0x80] =	vst v63  }
0x15: {  	_ =	swait.ge [sflag:s4], $0x10  }
0x16: {  	[sflag:s4] =	ssyncset.done $0x0  }
.LBB2_2:
0x17: {  	[sflag:s4] =	ssyncadd.s32 $0xFFFFFFF0  }
0x18: {  	_ =	sfence.sel $0x180000  }
0x19: {  	[bflag:$0x0] =	sbarrier.arrive $0xFFFF  }
0x1a: {  	p0 =	sne.s32 s3, $0x0;
	_ =	strace $0x90000047  }
0x1b: {  	s0 =	sadd.s32 @!p0 $0x100000, s0;
	[bflag:$0x2] =	sbarrier.arrive $0xFFFF  }
0x1c: {  	[sflag:s0] =	ssyncadd.tile.s32 @!p0 $0x1;
	_ =	shalt  }
.Lfunc_end2:
_tile_overlayer_lowered:
.L_overlay_start_2:
0x1d: {  	(tag) =	ssettag $0x2  }
0x1e: {  	s0 =	rddreg [dreg:$0x0];
	s2 =	stileid.u32  }
0x1f: {  	s1 =	rddreg [dreg:$0x1];
	p0 =	sne.s32 s2, $0x0  }
0x20: {  	s3 =	rddreg [dreg:$0x2];
	[bflag:$0x3] =	sbarrier.arrive $0xFFFF;
	s2 =	simm.s32 @!p0 $0x1C01  }
0x21: {  	[timem:s3], [sflag:s2] =	dma.local @!p0 [hbm:s0], s1  }
0x22: {  	s0 =	simm.s32 @!p0 $0x1  }
0x23: {  	_ =	swait.ge @!p0 [sflag:s0], s1  }
0x24: {  	s1 =	ssub.s32 @!p0 $0x0, s1;
	[sflag:s0] =	ssyncset.done @!p0 $0x0  }
0x25: {  	[sflag:s0] =	ssyncadd.s32 @!p0 s1  }
0x26: {  	[bflag:$0x3] =	sbarrier.arrive $0xFFFF  }
0x27: {  	_ =	shalt  }

</sc_bundles>
